<compile_context>
chip_gen: v7x
topology: tpu7x:2x2x1
jax: 0.10.2.dev20260603
libtpu: 0.0.44.dev20260713+nightly
codegen_flags: <defaults>
</compile_context>

<pallas_src>
import functools
import jax
import jax.numpy as jnp
from jax import lax
from jax.experimental import pallas as pl
from jax.experimental.pallas import tpu as pltpu
from jax.experimental.pallas import tpu_sc as plsc

N = 10000
E = 160000
F_IN = 256
EDGE_DIM = 16
HID = 128
LSTM_H = 256
GFEAT = 32
NG = 240
SEQ = 6
BS = NG // SEQ

NC = 2
NS = 16
CH = 256

N_PAD = 10112
E_PAD16 = 163840
E_PAD32 = 163840
NP_PAD32 = 16384
NG_PAD = 256
DUPN = 320000


@functools.partial(jax.jit, static_argnames=("n_pad",))
def _sc_segsum(vals, idx, zeros, *, n_pad):
    M, W = vals.shape
    per_tile = M // (NC * NS)
    chunks = per_tile // CH
    rows_pt = n_pad // NS
    mesh = plsc.VectorSubcoreMesh(core_axis_name="c", subcore_axis_name="s")

    @functools.partial(
        pl.kernel, mesh=mesh,
        out_type=jax.ShapeDtypeStruct((NC * n_pad, W), jnp.float32),
        scratch_types=[
            pltpu.VMEM((CH,), jnp.int32),
            pltpu.VMEM((CH, W), jnp.float32),
            pltpu.VMEM_SHARED((n_pad, W), jnp.float32),
            pltpu.SemaphoreType.DMA,
        ],
    )
    def k(vals_hbm, idx_hbm, zeros_hbm, out_hbm, idx_v, val_v, acc_sh, sem):
        c = lax.axis_index("c")
        s = lax.axis_index("s")
        wid = s * NC + c

        if True:
            pltpu.sync_copy(zeros_hbm, acc_sh.at[pl.ds(s * rows_pt, rows_pt)])
            plsc.subcore_barrier()

            def body(i, carry):
                off = wid * per_tile + i * CH
                c1 = pltpu.async_copy(idx_hbm.at[pl.ds(off, CH)], idx_v, sem)
                c2 = pltpu.async_copy(vals_hbm.at[pl.ds(off, CH)], val_v, sem)
                c1.wait()
                c2.wait()
                pltpu.sync_copy(val_v, acc_sh.at[idx_v], add=True)
                return carry

            lax.fori_loop(0, chunks, body, 0)
            plsc.subcore_barrier()
            pltpu.sync_copy(acc_sh.at[pl.ds(s * rows_pt, rows_pt)],
                            out_hbm.at[pl.ds(c * n_pad + s * rows_pt, rows_pt)])

    return k(vals, idx, zeros).reshape(NC, n_pad, W)


def _sc_aggregate(table, gidx_flat, alpha_flat, dst, zeros, *, n_heads):
    if n_heads == 4:
        e_pad, heads_per_core, n_out_maj = E_PAD16, 2, 4
        per_tile = e_pad // NS
    else:
        e_pad, heads_per_core, n_out_maj = E_PAD32, 1, 2
        per_tile = e_pad // (NC * NS)
    chunks = per_tile // CH
    rows_pt = N_PAD // NS
    mesh = plsc.VectorSubcoreMesh(core_axis_name="c", subcore_axis_name="s")

    @functools.partial(
        pl.kernel, mesh=mesh,
        out_type=jax.ShapeDtypeStruct((n_out_maj * N_PAD, HID), jnp.float32),
        scratch_types=[
            pltpu.VMEM((CH,), jnp.int32),
            pltpu.VMEM((CH,), jnp.int32),
            pltpu.VMEM((CH,), jnp.float32),
            pltpu.VMEM((CH, HID), jnp.float32),
            pltpu.VMEM_SHARED((N_PAD, HID), jnp.float32),
            pltpu.SemaphoreType.DMA,
        ],
    )
    def k(table_hbm, gidx_hbm, alpha_hbm, dst_hbm, zeros_hbm, out_hbm,
          gidx_v, dst_v, alpha_v, rows_v, acc_sh, sem):
        c = lax.axis_index("c")
        s = lax.axis_index("s")

        if True:
            for klocal in range(heads_per_core):
                hd = c * heads_per_core + klocal
                pltpu.sync_copy(zeros_hbm,
                                acc_sh.at[pl.ds(s * rows_pt, rows_pt)])
                plsc.subcore_barrier()

                if n_heads == 4:
                    tile_base = s * per_tile
                else:
                    tile_base = (s * NC + c) * per_tile

                def body(i, carry):
                    off = tile_base + i * CH
                    goff = hd * e_pad + off if n_heads == 4 else off
                    c1 = pltpu.async_copy(gidx_hbm.at[pl.ds(goff, CH)],
                                          gidx_v, sem)
                    c2 = pltpu.async_copy(alpha_hbm.at[pl.ds(goff, CH)],
                                          alpha_v, sem)
                    c3 = pltpu.async_copy(dst_hbm.at[pl.ds(off, CH)],
                                          dst_v, sem)
                    c1.wait()
                    c2.wait()
                    c3.wait()
                    pltpu.async_copy(table_hbm.at[gidx_v], rows_v, sem).wait()

                    def scale(g, carry2):
                        av = alpha_v[pl.ds(g * 16, 16)]
                        for j16 in range(16):
                            a = jnp.full((16,), av[j16], jnp.float32)
                            row = g * 16 + j16
                            for l in range(HID // 16):
                                sl = pl.ds(l * 16, 16)
                                rows_v[row, sl] = rows_v[row, sl] * a
                        return carry2

                    lax.fori_loop(0, CH // 16, scale, 0)
                    pltpu.sync_copy(rows_v, acc_sh.at[dst_v], add=True)
                    return carry

                lax.fori_loop(0, chunks, body, 0)
                plsc.subcore_barrier()
                if n_heads == 4:
                    out_base = hd * N_PAD + s * rows_pt
                else:
                    out_base = c * N_PAD + s * rows_pt
                pltpu.sync_copy(acc_sh.at[pl.ds(s * rows_pt, rows_pt)],
                                out_hbm.at[pl.ds(out_base, rows_pt)])
                plsc.subcore_barrier()

    return k(table, gidx_flat, alpha_flat, dst, zeros)


def _mm1(x, W1):
    nb = 10
    bn = N // nb

    def body(x_ref, w_ref, o_ref):
        o_ref[...] = jnp.dot(x_ref[...], w_ref[...],
                             preferred_element_type=jnp.float32)

    return pl.pallas_call(
        body,
        grid=(nb, 4),
        in_specs=[
            pl.BlockSpec((bn, F_IN), lambda i, h: (i, 0)),
            pl.BlockSpec((F_IN, HID), lambda i, h: (0, h)),
        ],
        out_specs=pl.BlockSpec((bn, HID), lambda i, h: (h * nb + i, 0)),
        out_shape=jax.ShapeDtypeStruct((4 * N, HID), jnp.float32),
    )(x, W1)


def _col_stats(y):
    nb = 10
    bn = N // nb
    C = y.shape[1]

    def body(y_ref, o_ref):
        @pl.when(pl.program_id(0) == 0)
        def _():
            o_ref[...] = jnp.zeros((8, C), jnp.float32)
        blk = y_ref[...]
        o_ref[0:1, :] = o_ref[0:1, :] + blk.sum(axis=0, keepdims=True)
        o_ref[1:2, :] = o_ref[1:2, :] + (blk * blk).sum(axis=0, keepdims=True)

    return pl.pallas_call(
        body,
        grid=(nb,),
        in_specs=[pl.BlockSpec((bn, C), lambda i: (i, 0))],
        out_specs=pl.BlockSpec((8, C), lambda i: (0, 0)),
        out_shape=jax.ShapeDtypeStruct((8, C), jnp.float32),
    )(y)


def _bn_relu_mm(y, scale, shift, W):
    nb = 10
    bn = N // nb
    C = y.shape[1]
    Cout = W.shape[1]

    def body(y_ref, s_ref, b_ref, w_ref, o_ref):
        h = jax.nn.relu(y_ref[...] * s_ref[...] + b_ref[...])
        o_ref[...] = jnp.dot(h, w_ref[...], preferred_element_type=jnp.float32)

    return pl.pallas_call(
        body,
        grid=(nb,),
        in_specs=[
            pl.BlockSpec((bn, C), lambda i: (i, 0)),
            pl.BlockSpec((1, C), lambda i: (0, 0)),
            pl.BlockSpec((1, C), lambda i: (0, 0)),
            pl.BlockSpec((C, Cout), lambda i: (0, 0)),
        ],
        out_specs=pl.BlockSpec((bn, Cout), lambda i: (i, 0)),
        out_shape=jax.ShapeDtypeStruct((N, Cout), jnp.float32),
    )(y, scale, shift, W)


def _bn_relu_gate_vals(y2, scale, shift, Wg_row, bg):
    nb = 10
    bn = N // nb

    def body(y_ref, s_ref, b_ref, wg_ref, bg_ref, oh_ref, os_ref):
        hc = jax.nn.relu(y_ref[...] * s_ref[...] + b_ref[...])
        gl = (hc * wg_ref[...]).sum(axis=1, keepdims=True) + bg_ref[...]
        eg = jnp.exp(gl)
        oh_ref[...] = eg * hc
        os_ref[...] = jnp.concatenate(
            [eg, jnp.zeros((bn, 127), jnp.float32)], axis=1)

    return pl.pallas_call(
        body,
        grid=(nb,),
        in_specs=[
            pl.BlockSpec((bn, HID), lambda i: (i, 0)),
            pl.BlockSpec((1, HID), lambda i: (0, 0)),
            pl.BlockSpec((1, HID), lambda i: (0, 0)),
            pl.BlockSpec((1, HID), lambda i: (0, 0)),
            pl.BlockSpec((1, 1), lambda i: (0, 0)),
        ],
        out_specs=(pl.BlockSpec((bn, HID), lambda i: (i, 0)),
                   pl.BlockSpec((bn, HID), lambda i: (i, 0))),
        out_shape=(jax.ShapeDtypeStruct((N, HID), jnp.float32),
                   jax.ShapeDtypeStruct((N, HID), jnp.float32)),
    )(y2, scale, shift, Wg_row, bg)


def _lstm_heads_body(xseq, gfeat, Wi1, Wh1, b1, Wi2, Wh2, b2,
                     Wo1, bo1, Wo2, bo2, Wb1, bb1, Wb2, bb2,
                     orange_ref, blue_ref):
    def step(xt, carry):
        h1, c1, h2, c2 = carry
        g1 = xt @ Wi1[...] + h1 @ Wh1[...] + b1[...]
        i1 = jax.nn.sigmoid(g1[:, 0 * LSTM_H:1 * LSTM_H])
        f1 = jax.nn.sigmoid(g1[:, 1 * LSTM_H:2 * LSTM_H])
        gg1 = jnp.tanh(g1[:, 2 * LSTM_H:3 * LSTM_H])
        o1 = jax.nn.sigmoid(g1[:, 3 * LSTM_H:4 * LSTM_H])
        c1 = f1 * c1 + i1 * gg1
        h1 = o1 * jnp.tanh(c1)
        g2 = h1 @ Wi2[...] + h2 @ Wh2[...] + b2[...]
        i2 = jax.nn.sigmoid(g2[:, 0 * LSTM_H:1 * LSTM_H])
        f2 = jax.nn.sigmoid(g2[:, 1 * LSTM_H:2 * LSTM_H])
        gg2 = jnp.tanh(g2[:, 2 * LSTM_H:3 * LSTM_H])
        o2 = jax.nn.sigmoid(g2[:, 3 * LSTM_H:4 * LSTM_H])
        c2 = f2 * c2 + i2 * gg2
        h2 = o2 * jnp.tanh(c2)
        return h1, c1, h2, c2

    z = jnp.zeros((BS, LSTM_H), dtype=jnp.float32)
    carry = (z, z, z, z)
    for t in range(SEQ):
        carry = step(xseq[t], carry)
    h1, c1, h2, c2 = carry
    comb = jnp.concatenate([h2, gfeat[...]], axis=1)
    ho = jax.nn.relu(comb @ Wo1[...] + bo1[...])
    hb = jax.nn.relu(comb @ Wb1[...] + bb1[...])
    orange_ref[...] = (ho * Wo2[...].reshape(1, -1)).sum(
        axis=1, keepdims=True) + bo2[...]
    blue_ref[...] = (hb * Wb2[...].reshape(1, -1)).sum(
        axis=1, keepdims=True) + bb2[...]


def _lstm_heads(seq, gfeat, Wi1, Wh1, b1, Wi2, Wh2, b2,
                Wo1, bo1, Wo2, bo2, Wb1, bb1, Wb2, bb2):
    out_shape = (jax.ShapeDtypeStruct((BS, 1), jnp.float32),
                 jax.ShapeDtypeStruct((BS, 1), jnp.float32))
    return pl.pallas_call(
        _lstm_heads_body,
        out_shape=out_shape,
    )(seq, gfeat, Wi1, Wh1, b1, Wi2, Wh2, b2,
      Wo1, bo1, Wo2, bo2, Wb1, bb1, Wb2, bb2)


def _score_fold(We, ae, heads, fout):
    return jnp.einsum('khf,hf->kh', We.reshape(We.shape[0], heads, fout), ae)


def _pad_rows(a, m):
    return jnp.pad(a, ((0, m - a.shape[0]),) + ((0, 0),) * (a.ndim - 1))


def kernel(x, edge_index, edge_attr, batch, global_features, W1, as1, ad1, We1, ae1, b1, g1, be1, W2, as2, ad2, We2, ae2, b2, g2, be2, Wg, bg, Wi1, Wh1, bi1, bh1, Wi2, Wh2, bi2, bh2, Wo1, bo1, Wo2, bo2, Wb1, bb1, Wb2, bb2):
    src, dst = edge_index[0], edge_index[1]
    dst_p32 = jnp.concatenate(
        [dst, jnp.arange(E_PAD32 - E, dtype=jnp.int32) % N])

    WeS1 = _score_fold(We1, ae1, 4, HID)
    WeS2 = _score_fold(We2, ae2, 1, HID)
    es = edge_attr @ jnp.concatenate([WeS1, WeS2], axis=1)
    es1, es2 = es[:, :4], es[:, 4:5]

    h1t = _mm1(x, W1)
    hh1 = h1t.reshape(4, N, HID)
    asrc1 = x @ jnp.einsum('khf,hf->kh', W1.reshape(F_IN, 4, HID), as1)
    adst1 = x @ jnp.einsum('khf,hf->kh', W1.reshape(F_IN, 4, HID), ad1)

    scores1 = jnp.pad(jnp.concatenate([asrc1, adst1], axis=1),
                      ((0, DUPN - N), (0, 0)))
    ga1 = scores1[src][:, 0:4]
    gd1 = scores1[dst][:, 4:8]
    ee1 = jnp.exp(jax.nn.leaky_relu(ga1 + gd1 + es1, 0.2))
    pad16 = jnp.arange(E_PAD16 - E, dtype=jnp.int32) % N
    src_p16 = jnp.concatenate([src, pad16])
    dst_p16 = jnp.concatenate([dst, pad16])
    hoff = (jnp.arange(4, dtype=jnp.int32) * N)[:, None]
    gidx1 = (src_p16[None, :] + hoff).reshape(-1)

    rows1 = jnp.concatenate(
        [jnp.ones((E, 1), jnp.float32), es1, es2, ee1,
         jnp.zeros((E, 118), jnp.float32)], axis=1)
    rows1 = _pad_rows(rows1, E_PAD32)
    zeros128 = jnp.zeros((N_PAD // NS, HID), jnp.float32)
    st = _sc_segsum(rows1, dst_p32, zeros128, n_pad=N_PAD)
    st = (st[0] + st[1])[:N]
    deg, esum1, esum2, densum1 = st[:, 0], st[:, 1:5], st[:, 5:6], st[:, 6:10]
    invdeg = 1.0 / jnp.maximum(deg, 1.0)
    ls1 = esum1 * invdeg[:, None]
    ls2 = esum2 * invdeg[:, None]

    ef1 = jnp.exp(jax.nn.leaky_relu(asrc1 + adst1 + ls1, 0.2))
    denom1 = densum1 + ef1 + 1e-16
    alpha_f1 = ef1 / denom1
    rden1 = 1.0 / denom1

    ee1f = jnp.pad(ee1.T, ((0, 0), (0, E_PAD16 - E))).reshape(-1)
    agg1 = _sc_aggregate(h1t, gidx1, ee1f, dst_p16, zeros128, n_heads=4)
    agg1 = agg1.reshape(4, N_PAD, HID)[:, :N]
    out1 = agg1 * rden1.T[:, :, None] + hh1 * alpha_f1.T[:, :, None]
    y1 = out1.transpose(1, 0, 2).reshape(N, 4 * HID) + b1

    s1 = _col_stats(y1)
    mu1 = s1[0] / N
    var1 = s1[1] / N - mu1 * mu1
    sc1 = g1 / jnp.sqrt(var1 + 1e-5)
    sh1 = be1 - mu1 * sc1
    h2 = _bn_relu_mm(y1, sc1.reshape(1, -1), sh1.reshape(1, -1), W2)

    asrc2 = (h2 * as2).sum(1, keepdims=True)
    adst2 = (h2 * ad2).sum(1, keepdims=True)
    gidx2 = jnp.concatenate(
        [src, jnp.arange(E_PAD32 - E, dtype=jnp.int32) % N])
    scores2 = jnp.pad(jnp.concatenate(
        [asrc2, adst2, jnp.zeros((N, 6), jnp.float32)], axis=1),
        ((0, DUPN - N), (0, 0)))
    ga2 = scores2[src][:, 0:1]
    gd2 = scores2[dst][:, 1:2]
    ee2 = jnp.exp(jax.nn.leaky_relu(ga2 + gd2 + es2, 0.2))
    ee2f = jnp.pad(ee2[:, 0], (0, E_PAD32 - E))

    rows2 = jnp.concatenate(
        [ee2f[:, None], jnp.zeros((E_PAD32, 127), jnp.float32)], axis=1)
    d2 = _sc_segsum(rows2, dst_p32, zeros128, n_pad=N_PAD)
    densum2 = (d2[0] + d2[1])[:N, 0:1]
    ef2 = jnp.exp(jax.nn.leaky_relu(asrc2 + adst2 + ls2, 0.2))
    denom2 = densum2 + ef2 + 1e-16
    alpha_f2 = ef2 / denom2

    agg2 = _sc_aggregate(h2, gidx2, ee2f, dst_p32, zeros128, n_heads=1)
    agg2 = agg2.reshape(2, N_PAD, HID)
    y2 = (agg2[0, :N] + agg2[1, :N]) / denom2 + h2 * alpha_f2 + b2

    s2 = _col_stats(y2)
    mu2 = s2[0] / N
    var2 = s2[1] / N - mu2 * mu2
    sc2 = g2 / jnp.sqrt(var2 + 1e-5)
    sh2 = be2 - mu2 * sc2
    pvh, pvs = _bn_relu_gate_vals(y2, sc2.reshape(1, -1), sh2.reshape(1, -1),
                                  Wg.reshape(1, -1), bg.reshape(1, 1))
    pvh = _pad_rows(pvh, NP_PAD32)
    pvs = _pad_rows(pvs, NP_PAD32)
    batch_p = jnp.concatenate(
        [batch, jnp.arange(NP_PAD32 - N, dtype=jnp.int32) % NG])
    zpg = jnp.zeros((NG_PAD // NS, HID), jnp.float32)
    ph = _sc_segsum(pvh, batch_p, zpg, n_pad=NG_PAD)
    ps = _sc_segsum(pvs, batch_p, zpg, n_pad=NG_PAD)
    ph = (ph[0] + ph[1])[:NG]
    ps = (ps[0] + ps[1])[:NG, 0:1]
    graph_embeds = ph / (ps + 1e-16)

    seq = graph_embeds.reshape(BS, SEQ, HID).transpose(1, 0, 2)
    gfeat = global_features[SEQ - 1::SEQ]
    orange, blue = _lstm_heads(
        seq, gfeat, Wi1, Wh1, (bi1 + bh1).reshape(1, -1),
        Wi2, Wh2, (bi2 + bh2).reshape(1, -1),
        Wo1, bo1.reshape(1, -1), Wo2, bo2.reshape(1, 1),
        Wb1, bb1.reshape(1, -1), Wb2, bb2.reshape(1, 1))
    return (orange, blue)

# --- scband reference (transcript-rebuilt; emitter-appended) ---
"""Pipeline reference for scband-spatio-temporal-gnn-lstm-88776974008750 (READ-ONLY COPY).

The authoritative reference and input builder live on the scoring server;
editing this copy changes nothing except your own understanding.
"""

import jax, jax.numpy as jnp
import numpy as np

N = 10000
E = 160000
F_IN = 256
EDGE_DIM = 16
HID = 128
LSTM_H = 256
GFEAT = 32
NG = 240
SEQ = 6
BS = NG // SEQ


def seg_softmax(logits, seg, num_seg):
    m = jax.ops.segment_max(logits, seg, num_segments=num_seg)
    m = jnp.where(jnp.isfinite(m), m, 0.0)
    e = jnp.exp(logits - m[seg])
    s = jax.ops.segment_sum(e, seg, num_segments=num_seg)
    return e / (s[seg] + 1e-16)


def gat_conv(x, src, dst, ea, W, a_s, a_d, We, a_e, b, heads, fout, n):
    # add self loops, edge_attr fill_value='mean' (mean of incoming edge feats per dst)
    deg = jax.ops.segment_sum(jnp.ones(src.shape[0], dtype=jnp.float32), dst, num_segments=n)
    loop_attr = jax.ops.segment_sum(ea, dst, num_segments=n) / jnp.maximum(deg, 1.0)[:, None]
    s2 = jnp.concatenate([src, jnp.arange(n)])
    d2 = jnp.concatenate([dst, jnp.arange(n)])
    ea2 = jnp.concatenate([ea, loop_attr], axis=0)
    h = (x @ W).reshape(n, heads, fout)
    eemb = (ea2 @ We).reshape(-1, heads, fout)
    alpha = (h * a_s[None]).sum(-1)[s2] + (h * a_d[None]).sum(-1)[d2] + (eemb * a_e[None]).sum(-1)
    alpha = jax.nn.leaky_relu(alpha, 0.2)
    alpha = seg_softmax(alpha, d2, n)
    out = jax.ops.segment_sum(h[s2] * alpha[:, :, None], d2, num_segments=n)
    return out.reshape(n, heads * fout) + b


def batch_norm(x, g, b):
    mu = x.mean(axis=0)
    var = x.var(axis=0)
    return (x - mu) / jnp.sqrt(var + 1e-5) * g + b


def lstm_stack(seq, layers, hidden):
    h_in = seq
    for (Wi, Wh, bi, bh) in layers:
        B = h_in.shape[0]
        T = h_in.shape[1]
        h = jnp.zeros((B, hidden), dtype=h_in.dtype)
        c = jnp.zeros((B, hidden), dtype=h_in.dtype)
        outs = []
        for t in range(T):
            gts = h_in[:, t] @ Wi + h @ Wh + bi + bh
            i, f, gg, o = jnp.split(gts, 4, axis=1)
            c = jax.nn.sigmoid(f) * c + jax.nn.sigmoid(i) * jnp.tanh(gg)
            h = jax.nn.sigmoid(o) * jnp.tanh(c)
            outs.append(h)
        h_in = jnp.stack(outs, axis=1)
    return h_in


def setup_inputs(seed: int = 0):
    key = jax.random.key(seed)
    ks = jax.random.split(key, 48)
    def rn(i, shape, scale):
        return jax.random.normal(ks[i], shape, dtype=jnp.float32) * scale
    inp = {}
    inp['x'] = rn(0, (N, F_IN), 1.0)
    inp['edge_index'] = jax.random.randint(ks[1], (2, E), 0, N)
    inp['edge_attr'] = rn(2, (E, EDGE_DIM), 1.0)
    inp['batch'] = jnp.sort(jax.random.randint(ks[3], (N,), 0, NG))
    inp['global_features'] = rn(4, (NG, GFEAT), 1.0)
    # GATConv 1: 256 -> 128, heads=4, edge_dim=16
    inp['W1'] = rn(5, (F_IN, 4 * HID), 1.0 / np.sqrt(F_IN))
    inp['as1'] = rn(6, (4, HID), 0.1)
    inp['ad1'] = rn(7, (4, HID), 0.1)
    inp['We1'] = rn(8, (EDGE_DIM, 4 * HID), 1.0 / np.sqrt(EDGE_DIM))
    inp['ae1'] = rn(9, (4, HID), 0.1)
    inp['b1'] = jnp.zeros((4 * HID,), dtype=jnp.float32)
    inp['g1'] = jnp.ones((4 * HID,), dtype=jnp.float32)
    inp['be1'] = jnp.zeros((4 * HID,), dtype=jnp.float32)
    # GATConv 2: 512 -> 128, heads=1
    inp['W2'] = rn(10, (4 * HID, HID), 1.0 / np.sqrt(4 * HID))
    inp['as2'] = rn(11, (1, HID), 0.1)
    inp['ad2'] = rn(12, (1, HID), 0.1)
    inp['We2'] = rn(13, (EDGE_DIM, HID), 1.0 / np.sqrt(EDGE_DIM))
    inp['ae2'] = rn(14, (1, HID), 0.1)
    inp['b2'] = jnp.zeros((HID,), dtype=jnp.float32)
    inp['g2'] = jnp.ones((HID,), dtype=jnp.float32)
    inp['be2'] = jnp.zeros((HID,), dtype=jnp.float32)
    # GlobalAttention gate
    inp['Wg'] = rn(15, (HID, 1), 1.0 / np.sqrt(HID))
    inp['bg'] = jnp.zeros((1,), dtype=jnp.float32)
    # LSTM (2 layers, torch gate order i,f,g,o)
    inp['Wi1'] = rn(16, (HID, 4 * LSTM_H), 1.0 / np.sqrt(HID))
    inp['Wh1'] = rn(17, (LSTM_H, 4 * LSTM_H), 1.0 / np.sqrt(LSTM_H))
    inp['bi1'] = jnp.zeros((4 * LSTM_H,), dtype=jnp.float32)
    inp['bh1'] = jnp.zeros((4 * LSTM_H,), dtype=jnp.float32)
    inp['Wi2'] = rn(18, (LSTM_H, 4 * LSTM_H), 1.0 / np.sqrt(LSTM_H))
    inp['Wh2'] = rn(19, (LSTM_H, 4 * LSTM_H), 1.0 / np.sqrt(LSTM_H))
    inp['bi2'] = jnp.zeros((4 * LSTM_H,), dtype=jnp.float32)
    inp['bh2'] = jnp.zeros((4 * LSTM_H,), dtype=jnp.float32)
    # Heads: input 256 + 32 = 288 -> 144 -> 1
    HIN = LSTM_H + GFEAT
    inp['Wo1'] = rn(20, (HIN, HIN // 2), 1.0 / np.sqrt(HIN))
    inp['bo1'] = jnp.zeros((HIN // 2,), dtype=jnp.float32)
    inp['Wo2'] = rn(21, (HIN // 2, 1), 1.0 / np.sqrt(HIN // 2))
    inp['bo2'] = jnp.zeros((1,), dtype=jnp.float32)
    inp['Wb1'] = rn(22, (HIN, HIN // 2), 1.0 / np.sqrt(HIN))
    inp['bb1'] = jnp.zeros((HIN // 2,), dtype=jnp.float32)
    inp['Wb2'] = rn(23, (HIN // 2, 1), 1.0 / np.sqrt(HIN // 2))
    inp['bb2'] = jnp.zeros((1,), dtype=jnp.float32)
    return inp


def reference(x, edge_index, edge_attr, batch, global_features, W1, as1, ad1, We1, ae1, b1, g1, be1, W2, as2, ad2, We2, ae2, b2, g2, be2, Wg, bg, Wi1, Wh1, bi1, bh1, Wi2, Wh2, bi2, bh2, Wo1, bo1, Wo2, bo2, Wb1, bb1, Wb2, bb2):
    src, dst = edge_index[0], edge_index[1]
    h = jax.nn.relu(batch_norm(gat_conv(x, src, dst, edge_attr, W1, as1, ad1, We1, ae1, b1, 4, HID, N), g1, be1))
    h = jax.nn.relu(batch_norm(gat_conv(h, src, dst, edge_attr, W2, as2, ad2, We2, ae2, b2, 1, HID, N), g2, be2))
    gate = seg_softmax(h @ Wg + bg, batch, NG)
    graph_embeds = jax.ops.segment_sum(gate * h, batch, num_segments=NG)
    seq = graph_embeds.reshape(BS, SEQ, HID)
    lstm_out = lstm_stack(seq, [(Wi1, Wh1, bi1, bh1), (Wi2, Wh2, bi2, bh2)], LSTM_H)
    last = lstm_out[:, -1, :]
    last_globals = global_features[SEQ - 1::SEQ]
    comb = jnp.concatenate([last, last_globals], axis=1)
    orange = jax.nn.relu(comb @ Wo1 + bo1) @ Wo2 + bo2
    blue = jax.nn.relu(comb @ Wb1 + bb1) @ Wb2 + bb2
    return (orange, blue)

if __name__ == "__main__":
    import jax
    _d = setup_inputs()
    print(jax.jit(kernel)(*tuple(_d.values())))

</pallas_src>

<mosaic_0001>
#map = affine_map<(d0, d1) -> (0, 0)>
#map1 = affine_map<(d0, d1) -> (0)>
module attributes {stable_mosaic.version = 14 : i64} {
  func.func @k(%arg0: i32, %arg1: i32, %arg2: memref<163840x128xf32, #tpu.memory_space<hbm>>, %arg3: memref<163840xi32, #tpu.memory_space<hbm>>, %arg4: memref<632x128xf32, #tpu.memory_space<hbm>>, %arg5: memref<20224x128xf32, #tpu.memory_space<hbm>>, %arg6: memref<256xi32, #tpu.memory_space<vmem>>, %arg7: memref<256x128xf32, #tpu.memory_space<vmem>>, %arg8: memref<10112x128xf32, #tpu.memory_space<vmem_shared>>, %arg9: memref<!tpu.dma_semaphore, #tpu.memory_space<semaphore_mem>>) attributes {dimension_semantics = [#tpu.dimension_semantics<core_parallel>, #tpu.dimension_semantics<subcore_parallel>], iteration_bounds = array<i64: 2, 16>, scalar_prefetch = 0 : i64, scratch_operands = 4 : i64, tpu.core_type = #tpu.core_type<sc_vector_subcore>, window_params = [{transform_indices = #map}, {transform_indices = #map1}, {transform_indices = #map}, {transform_indices = #map}]} {
    %mul3A = arith.constant 2 : i32
    %mul3A_0 = arith.muli %arg1, %mul3A : i32
    %add3A = arith.addi %mul3A_0, %arg0 : i32
    %mul3A_1 = arith.constant 632 : i32
    %mul3A_2 = arith.muli %arg1, %mul3A_1 : i32
    "tpu.region"() ({
      %run_scoped3A = tpu.sem_alloc : memref<!tpu.dma_semaphore, #tpu.memory_space<semaphore_mem>>
      %dma_start3A = arith.constant 0 : i32
      %dma_start3A_16 = tpu.memref_slice %arg8[%mul3A_2, %dma_start3A] : memref<10112x128xf32, #tpu.memory_space<vmem_shared>> -> memref<632x128xf32, #tpu.memory_space<vmem_shared>>
      tpu.enqueue_dma source(%arg4 : memref<632x128xf32, #tpu.memory_space<hbm>>) target(%dma_start3A_16 : memref<632x128xf32, #tpu.memory_space<vmem_shared>>) target_semaphore(%run_scoped3A : memref<!tpu.dma_semaphore, #tpu.memory_space<semaphore_mem>>)
      %dma_wait3A = arith.constant 0 : i32
      %dma_wait3A_17 = tpu.memref_slice %arg8[%mul3A_2, %dma_wait3A] : memref<10112x128xf32, #tpu.memory_space<vmem_shared>> -> memref<632x128xf32, #tpu.memory_space<vmem_shared>>
      tpu.wait_dma2 semaphore(%run_scoped3A : memref<!tpu.dma_semaphore, #tpu.memory_space<semaphore_mem>>) src(%arg4 : memref<632x128xf32, #tpu.memory_space<hbm>>) dst(%dma_wait3A_17 : memref<632x128xf32, #tpu.memory_space<vmem_shared>>)
      tpu.yield
    }) : () -> ()
    %barrier3A = arith.constant 0 : index
    tpu.barrier barrier_id(%barrier3A)
    %scan3A = arith.constant 0 : i32
    %scan3A_3 = arith.constant 0 : i32
    %scan3A_4 = arith.constant 20 : i32
    %scan3A_5 = arith.addi %scan3A_3, %scan3A_4 : i32
    %scan3A_6 = arith.constant 1 : i32
    scf.for %scan3A_16 = %scan3A_3 to %scan3A_5 step %scan3A_6  : i32 {
      %mul3A_17 = arith.constant 5120 : i32
      %mul3A_18 = arith.muli %add3A, %mul3A_17 : i32
      %mul3A_19 = arith.constant 256 : i32
      %mul3A_20 = arith.muli %scan3A_16, %mul3A_19 : i32
      %add3A_21 = arith.addi %mul3A_18, %mul3A_20 : i32
      %dma_start3A = tpu.memref_slice %arg3[%add3A_21] : memref<163840xi32, #tpu.memory_space<hbm>> -> memref<256xi32, #tpu.memory_space<hbm>>
      %dma_start3A_22 = tpu.memref_slice %arg3[%add3A_21] : memref<163840xi32, #tpu.memory_space<hbm>> -> memref<256xi32, #tpu.memory_space<hbm>>
      tpu.enqueue_dma source(%dma_start3A_22 : memref<256xi32, #tpu.memory_space<hbm>>) target(%arg6 : memref<256xi32, #tpu.memory_space<vmem>>) target_semaphore(%arg9 : memref<!tpu.dma_semaphore, #tpu.memory_space<semaphore_mem>>)
      %dma_start3A_23 = arith.constant 0 : i32
      %dma_start3A_24 = tpu.memref_slice %arg2[%add3A_21, %dma_start3A_23] : memref<163840x128xf32, #tpu.memory_space<hbm>> -> memref<256x128xf32, #tpu.memory_space<hbm>>
      %dma_start3A_25 = arith.constant 0 : i32
      %dma_start3A_26 = tpu.memref_slice %arg2[%add3A_21, %dma_start3A_25] : memref<163840x128xf32, #tpu.memory_space<hbm>> -> memref<256x128xf32, #tpu.memory_space<hbm>>
      tpu.enqueue_dma source(%dma_start3A_26 : memref<256x128xf32, #tpu.memory_space<hbm>>) target(%arg7 : memref<256x128xf32, #tpu.memory_space<vmem>>) target_semaphore(%arg9 : memref<!tpu.dma_semaphore, #tpu.memory_space<semaphore_mem>>)
      %dma_wait3A = tpu.memref_slice %arg3[%add3A_21] : memref<163840xi32, #tpu.memory_space<hbm>> -> memref<256xi32, #tpu.memory_space<hbm>>
      %dma_wait3A_27 = tpu.memref_slice %arg3[%add3A_21] : memref<163840xi32, #tpu.memory_space<hbm>> -> memref<256xi32, #tpu.memory_space<hbm>>
      tpu.wait_dma2 semaphore(%arg9 : memref<!tpu.dma_semaphore, #tpu.memory_space<semaphore_mem>>) src(%dma_wait3A_27 : memref<256xi32, #tpu.memory_space<hbm>>) dst(%arg6 : memref<256xi32, #tpu.memory_space<vmem>>)
      %dma_wait3A_28 = arith.constant 0 : i32
      %dma_wait3A_29 = tpu.memref_slice %arg2[%add3A_21, %dma_wait3A_28] : memref<163840x128xf32, #tpu.memory_space<hbm>> -> memref<256x128xf32, #tpu.memory_space<hbm>>
      %dma_wait3A_30 = arith.constant 0 : i32
      %dma_wait3A_31 = tpu.memref_slice %arg2[%add3A_21, %dma_wait3A_30] : memref<163840x128xf32, #tpu.memory_space<hbm>> -> memref<256x128xf32, #tpu.memory_space<hbm>>
      tpu.wait_dma2 semaphore(%arg9 : memref<!tpu.dma_semaphore, #tpu.memory_space<semaphore_mem>>) src(%dma_wait3A_31 : memref<256x128xf32, #tpu.memory_space<hbm>>) dst(%arg7 : memref<256x128xf32, #tpu.memory_space<vmem>>)
      "tpu.region"() ({
        %run_scoped3A = tpu.sem_alloc : memref<!tpu.dma_semaphore, #tpu.memory_space<semaphore_mem>>
        %dma_start3A_32 = arith.constant 0 : i32
        %dma_start3A_33 = arith.constant 0 : i32
        %dma_start3A_34 = tpu.memref_slice %arg8[%dma_start3A_32, %dma_start3A_33] : memref<10112x128xf32, #tpu.memory_space<vmem_shared>> -> memref<10112x128xf32, #tpu.memory_space<vmem_shared>>
        tpu.enqueue_indirect_dma source(%arg7 : memref<256x128xf32, #tpu.memory_space<vmem>>) target(%dma_start3A_34 : memref<10112x128xf32, #tpu.memory_space<vmem_shared>>) offsets(%arg6 : memref<256xi32, #tpu.memory_space<vmem>>) semaphore(%run_scoped3A : memref<!tpu.dma_semaphore, #tpu.memory_space<semaphore_mem>>) {add = true}
        %dma_wait3A_35 = arith.constant 0 : i32
        %dma_wait3A_36 = arith.constant 0 : i32
        %dma_wait3A_37 = tpu.memref_slice %arg8[%dma_wait3A_35, %dma_wait3A_36] : memref<10112x128xf32, #tpu.memory_space<vmem_shared>> -> memref<10112x128xf32, #tpu.memory_space<vmem_shared>>
        tpu.wait_indirect_dma semaphore(%run_scoped3A : memref<!tpu.dma_semaphore, #tpu.memory_space<semaphore_mem>>) src(%arg7 : memref<256x128xf32, #tpu.memory_space<vmem>>) dst(%dma_wait3A_37 : memref<10112x128xf32, #tpu.memory_space<vmem_shared>>)
        tpu.yield
      }) : () -> ()
    }
    %scan3A_7 = arith.constant 20 : i32
    %barrier3A_8 = arith.constant 0 : index
    tpu.barrier barrier_id(%barrier3A_8)
    %mul3A_9 = arith.constant 632 : i32
    %mul3A_10 = arith.muli %arg1, %mul3A_9 : i32
    %mul3A_11 = arith.constant 10112 : i32
    %mul3A_12 = arith.muli %arg0, %mul3A_11 : i32
    %mul3A_13 = arith.constant 632 : i32
    %mul3A_14 = arith.muli %arg1, %mul3A_13 : i32
    %add3A_15 = arith.addi %mul3A_12, %mul3A_14 : i32
    "tpu.region"() ({
      %run_scoped3A = tpu.sem_alloc : memref<!tpu.dma_semaphore, #tpu.memory_space<semaphore_mem>>
      %dma_start3A = arith.constant 0 : i32
      %dma_start3A_16 = tpu.memref_slice %arg5[%add3A_15, %dma_start3A] : memref<20224x128xf32, #tpu.memory_space<hbm>> -> memref<632x128xf32, #tpu.memory_space<hbm>>
      %dma_start3A_17 = arith.constant 0 : i32
      %dma_start3A_18 = tpu.memref_slice %arg8[%mul3A_10, %dma_start3A_17] : memref<10112x128xf32, #tpu.memory_space<vmem_shared>> -> memref<632x128xf32, #tpu.memory_space<vmem_shared>>
      tpu.enqueue_dma source(%dma_start3A_18 : memref<632x128xf32, #tpu.memory_space<vmem_shared>>) target(%dma_start3A_16 : memref<632x128xf32, #tpu.memory_space<hbm>>) target_semaphore(%run_scoped3A : memref<!tpu.dma_semaphore, #tpu.memory_space<semaphore_mem>>)
      %dma_wait3A = arith.constant 0 : i32
      %dma_wait3A_19 = tpu.memref_slice %arg5[%add3A_15, %dma_wait3A] : memref<20224x128xf32, #tpu.memory_space<hbm>> -> memref<632x128xf32, #tpu.memory_space<hbm>>
      %dma_wait3A_20 = arith.constant 0 : i32
      %dma_wait3A_21 = tpu.memref_slice %arg8[%mul3A_10, %dma_wait3A_20] : memref<10112x128xf32, #tpu.memory_space<vmem_shared>> -> memref<632x128xf32, #tpu.memory_space<vmem_shared>>
      tpu.wait_dma2 semaphore(%run_scoped3A : memref<!tpu.dma_semaphore, #tpu.memory_space<semaphore_mem>>) src(%dma_wait3A_21 : memref<632x128xf32, #tpu.memory_space<vmem_shared>>) dst(%dma_wait3A_19 : memref<632x128xf32, #tpu.memory_space<hbm>>)
      tpu.yield
    }) : () -> ()
    return
  }
}

</mosaic_0001>

<sc_bundles>
// kernel: _sc_segsum.3.cloned.1.call-start
scs
__scs_entry_jumppad:
0x0: {  	(pc) =	sbr.rel $0x88, $3  }
0x1: {  	(tag) =	ssettag $0x0;
	lr =	simm.s32 $0x1  }
0x2: {  	[smem:$0x3F9E] =	sst lr;
	_ =	strace $0xD0000000  }
0x3: {  	_ = 	snop  }
0x4: {  	_ = 	snop  }
0x5: {  	_ = 	snop  }
0x6: {  	_ = 	snop  }
0x7: {  	_ = 	snop  }
__scs_overlays_trampoline_lowered:
0x8: {  	[smem:$0x3FAD] =	sst s0  }
0x9: {  	[smem:$0x3FAE] =	sst s1  }
0xa: {  	[smem:$0x3FAF] =	sst s2  }
0xb: {  	[smem:$0x3FB0] =	sst s3  }
0xc: {  	[smem:$0x3FB1] =	sst s4  }
0xd: {  	[smem:$0x3FB2] =	sst s5  }
0xe: {  	[smem:$0x3FB3] =	sst s6  }
0xf: {  	[smem:$0x3FB4] =	sst s7  }
0x10: {  	[smem:$0x3FB5] =	sst s8  }
0x11: {  	[smem:$0x3FB6] =	sst s9;
	s0 =	simm.s32 @!p0 $0x0  }
0x12: {  	s1 =	sld [smem:$0x3F9C];
	s0 =	simm.s32 @p0 $0x1  }
0x13: {  	[smem:$0x3FB7] =	sst s0;
	s0 =	simm.s32 @!p1 $0x0  }
0x14: {  	s2 =	sld [smem:$0x3F9B];
	s0 =	simm.s32 @p1 $0x1  }
0x15: {  	[smem:$0x3FB8] =	sst s0;
	s0 =	simm.s32 @!p2 $0x0  }
0x16: {  	s3 =	sld [smem:$0x3FDB];
	s0 =	simm.s32 @p2 $0x1  }
0x17: {  	s4 =	simm.s32 $0x1BF5;
	[smem:$0x3FBA] =	sst s0  }
0x18: {  	s0 =	sld [smem:$0x3F9D];
	_ =	swait.ge [sflag:s4], $0x0  }
0x19: {  	s7 =	sld [smem:$0x3F9E]  }
0x1a: {  	s8 =	sadd.s32 $0xFFFFE003, lr  }
0x1b: {  	s9 =	sadd.s32 $0xFFFFFEF7, lr;
	s5 =	simm.s32 $0xFFFFFFFF;
	p2 =	slt.u32 s8, $0xFFFFF086  }
0x1c: {  	p1 =	slt.u32 s9, $0xF7A;
	s5 =	simm.s32 @!p2 $0x0  }
0x1d: {  	s5 =	simm.s32 @p1 $0x1;
	p0 =	seq.s32 s7, s2  }
0x1e: {  	s7 =	smul.u32 @!p0 $0xF7A, s2;
	p2 =	seq.s32 @!p0 s5, $0x0  }
0x1f: {  	s9 =	smul.u32 $0xF7A, s1;
	s8 =	simm.s32 @!p0 $0x1BF5;
	p2 =	por !p2, p0  }
0x20: {  	[sflag:s8] =	ssyncset.s32 @!p0 $0xFFFFF086;
	s6 =	sadd.s32 @!p0 s3, s7;
	s7 =	simm.s32 @!p0 $0x108  }
0x21: {  	s3 =	sadd.s32 s3, s9;
	s6 =	sadd.s32 @!p0 $0x88, s6;
	s7 =	simm.s32 @p2 $0x1082  }
0x22: {  	[simem:s7], [sflag:s8] =	dma.local @!p0 [hbm:s6], $0xF7A  }
0x23: {  	s9 =	sor.u32 $0xD0000000, s2;
	s6 =	simm.s32 $0x108;
	_ =	swait.ge @!p0 [sflag:s8], $0x0  }
0x24: {  	s3 =	sadd.s32 $0x88, s3;
	s6 =	simm.s32 @!p1 $0x1082;
	[sflag:s4] =	ssyncset.s32 $0xFFFFF086  }
0x25: {  	[simem:s6], [sflag:s4] =	dma.local [hbm:s3], $0xF7A  }
0x26: {  	[smem:$0x3F9E] =	sst s1;
	(tag) =	ssettag s2;
	_ =	strace s9  }
0x27: {  	s1 =	sld [smem:$0x3FAE]  }
0x28: {  	s2 =	sld [smem:$0x3FAF]  }
0x29: {  	s4 =	sld [smem:$0x3FB1]  }
0x2a: {  	p0 =	seq.s32 s5, $0x0;
	s5 =	sld [smem:$0x3FB2]  }
0x2b: {  	s6 =	sld [smem:$0x3FB3]  }
0x2c: {  	s7 =	sld [smem:$0x3FB4]  }
0x2d: {  	s3 =	simm.s32 $0x108;
	s8 =	sld [smem:$0x3FB5]  }
0x2e: {  	s3 =	simm.s32 @!p0 $0x1082;
	s9 =	sld [smem:$0x3FB6]  }
0x2f: {  	lr =	sadd.s32 s0, s3;
	s0 =	sld [smem:$0x3FAD]  }
0x30: {  	s3 =	sld [smem:$0x3FB0]  }
0x31: {  	[smem:$0x3FB9] =	sst s10  }
0x32: {  	s10 =	sld [smem:$0x3FB7];
	_ =	sdelay $0x3  }
0x33: {  	p0 =	seq.s32 s10, $0x1;
	s10 =	sld [smem:$0x3FB9];
	_ =	sdelay $0x3  }
0x34: {  	[smem:$0x3FB9] =	sst s10  }
0x35: {  	s10 =	sld [smem:$0x3FB8];
	_ =	sdelay $0x3  }
0x36: {  	p1 =	seq.s32 s10, $0x1;
	s10 =	sld [smem:$0x3FB9];
	_ =	sdelay $0x3  }
0x37: {  	[smem:$0x3FB9] =	sst s10  }
0x38: {  	s10 =	sld [smem:$0x3FBA]  }
0x39: {  	_ = 	snop;
	(pc) =	sbr.ind lr, $3  }
0x3a: {  	_ = 	snop  }
0x3b: {  	_ = 	snop  }
0x3c: {  	p2 =	seq.s32 s10, $0x1;
	s10 =	sld [smem:$0x3FB9]  }
0x3d: {  	_ =	shalt  }
0x3e: {  	_ =	shalt  }
0x3f: {  	_ =	shalt  }
0x40: {  	_ =	shalt  }
0x41: {  	_ =	shalt  }
0x42: {  	_ =	shalt  }
0x43: {  	_ =	shalt  }
0x44: {  	_ =	shalt  }
0x45: {  	_ =	shalt  }
0x46: {  	_ =	shalt  }
0x47: {  	_ =	shalt  }
0x48: {  	_ =	shalt  }
0x49: {  	_ =	shalt  }
0x4a: {  	_ =	shalt  }
0x4b: {  	_ =	shalt  }
0x4c: {  	_ =	shalt  }
0x4d: {  	_ =	shalt  }
0x4e: {  	_ =	shalt  }
0x4f: {  	_ =	shalt  }
0x50: {  	_ =	shalt  }
0x51: {  	_ =	shalt  }
0x52: {  	_ =	shalt  }
0x53: {  	_ =	shalt  }
0x54: {  	_ =	shalt  }
0x55: {  	_ =	shalt  }
0x56: {  	_ =	shalt  }
0x57: {  	_ =	shalt  }
0x58: {  	_ =	shalt  }
0x59: {  	_ =	shalt  }
0x5a: {  	_ =	shalt  }
0x5b: {  	_ =	shalt  }
0x5c: {  	_ =	shalt  }
0x5d: {  	_ =	shalt  }
0x5e: {  	_ =	shalt  }
0x5f: {  	_ =	shalt  }
0x60: {  	_ =	shalt  }
0x61: {  	_ =	shalt  }
0x62: {  	_ =	shalt  }
0x63: {  	_ =	shalt  }
0x64: {  	_ =	shalt  }
0x65: {  	_ =	shalt  }
0x66: {  	_ =	shalt  }
0x67: {  	_ =	shalt  }
0x68: {  	_ =	shalt  }
0x69: {  	_ =	shalt  }
0x6a: {  	_ =	shalt  }
0x6b: {  	_ =	shalt  }
0x6c: {  	_ =	shalt  }
0x6d: {  	_ =	shalt  }
0x6e: {  	_ =	shalt  }
0x6f: {  	_ =	shalt  }
0x70: {  	_ =	shalt  }
0x71: {  	_ =	shalt  }
0x72: {  	_ =	shalt  }
0x73: {  	_ =	shalt  }
0x74: {  	_ =	shalt  }
0x75: {  	_ =	shalt  }
0x76: {  	_ =	shalt  }
0x77: {  	_ =	shalt  }
0x78: {  	_ =	shalt  }
0x79: {  	_ =	shalt  }
0x7a: {  	_ =	shalt  }
0x7b: {  	_ =	shalt  }
0x7c: {  	_ =	shalt  }
0x7d: {  	_ =	shalt  }
0x7e: {  	_ =	shalt  }
0x7f: {  	_ =	shalt  }
0x80: {  	_ =	shalt  }
0x81: {  	_ =	shalt  }
0x82: {  	_ =	shalt  }
0x83: {  	_ =	shalt  }
0x84: {  	_ =	shalt  }
0x85: {  	_ =	shalt  }
0x86: {  	_ =	shalt  }
0x87: {  	_ =	shalt  }
.Lfunc_end0:
.L_simem_size_0:
called_computation_lowered:
.L_overlay_start_0:
0x88: {  	s2 =	sld [smem:$0x3FD9]  }
0x89: {  	s3 =	sld [smem:$0x3FFE];
	_ =	sdelay $0x1  }
0x8a: {  	s1 =	srdreg.scid  }
0x8b: {  	s0 =	sand.u32 $0x1, s1  }
0x8c: {  	s18 =	sshll.u32 s0, $0xA;
	s2 =	sadd.s32 s3, s2  }
0x8d: {  	s2 =	sadd.s32 s2, s18  }
0x8e: {  	[smem:$0x3FC5] =	sst s2  }
0x8f: {  	_ = 	snop  }
0x90: {  	s2 =	sld [smem:$0x3FC9]  }
0x91: {  	s19 =	sld [smem:$0x3FC8]  }
0x92: {  	s4 =	sld [smem:$0x3FC7]  }
0x93: {  	s5 =	sld [smem:$0x3FD0];
	(tm) =	ssettm $0x1  }
0x94: {  	s6 =	sld [smem:$0x3FFB];
	_ =	sdelay $0x3  }
0x95: {  	_ =	strace s6  }
0x96: {  	s6 =	sld [smem:$0x3FFC];
	_ =	sdelay $0x3  }
0x97: {  	_ =	strace s6  }
0x98: {  	s6 =	sld [smem:$0x3FFD];
	_ =	sdelay $0x3  }
0x99: {  	_ =	strace s6  }
0x9a: {  	_ =	strace $0x8FFFFFFF  }
0x9b: {  	s20 =	sld [smem:$0x3FDB];
	_ =	sdelay $0x1  }
0x9c: {  	s7 =	simm.s32 $_scs_section_size  }
0x9d: {  	s8 =	simm.s32 $_size__tile_overlayer_lowered;
	s9 =	simm.s32 $_tile_overlayer_lowered  }
0x9e: {  	s23 =	simm.s32 $0x1BFF;
	s22 =	sshll.u32 s9, $0x1;
	s6 =	sadd.s32 s7, s20  }
0x9f: {  	s10 =	simm.s32 $0x0;
	s21 =	sshll.u32 s8, $0x1;
	s8 =	sadd.s32 s22, s6  }
0xa0: {  	[timem:s10], [sflag:s23] =	dma.local [hbm:s8], s21  }
0xa1: {  	_ =	swait.ge [sflag:s23], s21  }
0xa2: {  	s7 =	ssub.s32 $0x0, s21;
	[sflag:s23] =	ssyncset.done $0x0  }
0xa3: {  	[sflag:s23] =	ssyncadd.s32 s7;
	_ =	sdelay $0x1  }
0xa4: {  	s24 =	simm.s32 $0x1B8B  }
0xa5: {  	_ =	swait.ge [sflag:s24], $0x1  }
0xa6: {  	[sflag:s24] =	ssyncset.done $0x0  }
0xa7: {  	s25 =	simm.s32 $0x1B8E;
	[sflag:s24] =	ssyncadd.s32 $0xFFFFFFFF  }
0xa8: {  	s26 =	simm.s32 $execute0_lowered;
	[smem:$0x3FD2] =	sst s25  }
0xa9: {  	s7 =	sshll.u32 s26, $0x1;
	_ =	strace $0x80000046;
	[dreg:$0x1] =	wrdreg $0xFFFFFFFF  }
0xaa: {  	s28 =	simm.s32 $_size_execute0_lowered;
	s6 =	sadd.s32 s6, s7;
	[dreg:$0x0] =	wrdreg $0x0  }
0xab: {  	s7 =	sshll.u32 s28, $0x1;
	[dreg:$0x2] =	wrdreg s6  }
0xac: {  	[dreg:$0x3] =	wrdreg s7  }
0xad: {  	[dreg:$0x4] =	wrdreg $0xC0  }
0xae: {  	_ =	task [dreg:s10], $0x5FFFF  }
0xaf: {  	[dreg:$0x1] =	wrdreg $0xFFFFFFFF  }
0xb0: {  	[dreg:$0x0] =	wrdreg $0x60  }
0xb1: {  	[dreg:$0x2] =	wrdreg s2  }
0xb2: {  	[dreg:$0x3] =	wrdreg s19  }
0xb3: {  	[dreg:$0x4] =	wrdreg s4  }
0xb4: {  	[dreg:$0x5] =	wrdreg s5  }
0xb5: {  	[dreg:$0x6] =	wrdreg $0x81000  }
0xb6: {  	[dreg:$0x7] =	wrdreg $0x9  }
0xb7: {  	_ =	task.clear_ibuf [dreg:s10], $0x8FFFF;
	_ =	strace $0x90000046  }
0xb8: {  	s29 =	simm.s32 $0x9;
	_ =	strace $0x80000048  }
0xb9: {  	_ =	swait.ge [sflag:s29], $0x1  }
0xba: {  	[sflag:s29] =	ssyncadd.s32 $0xFFFFFFFF  }
0xbb: {  	_ =	strace $0x90000048  }
0xbc: {  	_ =	sfence  }
0xbd: {  	s30 =	sld [smem:$0x0];
	_ =	sdelay $0x2  }
0xbe: {  	s31 =	sshll.u32 s1, $0xD;
	s1 =	sshrl.u32 s1, $0x2  }
0xbf: {  	s3 =	sand.u32 $0x4000, s31;
	s1 =	sadd.s32 s1, s30  }
0xc0: {  	s0 =	sor.u32 s3, s0;
	s1 =	sshll.u32 s1, $0x11  }
0xc1: {  	s0 =	sor.u32 s1, s0  }
0xc2: {  	s0 =	sadd.s32 $0x8F2B, s0  }
0xc3: {  	[sflag:s0] =	ssyncadd.remote.s32 $0x1  }
0xc4: {  	_ =	sfence.sel $0xFFFF  }
0xc5: {  	[dreg:$0x0] =	wrdreg $0xFFFFFFFF;
	(pc) =	sbr.abs _section_cstart, $3  }
0xc6: {  	[dreg:$0x1] =	wrdreg $0xFFFFFFFF  }
0xc7: {  	_ =	task.clear_ibuf [dreg:s10], $0x2FFFF;
	_ =	strace $0x9FFFFFFF  }
0xc8: {  	(tm) =	ssettm $0x7FFFFFFF  }
0xc9: {  	_ =	shalt  }
tec
execute0_lowered:
.L_overlay_start_1:
0x0: {  	(tag) =	ssettag $0x1  }
0x1: {  	s7 =	rddreg [dreg:$0x0]  }
0x2: {  	s9 =	rddreg [dreg:$0x1];
	s1 =	stileid.u32  }
0x3: {  	s2 =	rddreg [dreg:$0x2];
	s8 =	smul.u32 $0x2780, s1  }
0x4: {  	s5 =	rddreg [dreg:$0x3];
	s10 =	smul.u32 $0x4F000, s1  }
0x5: {  	s6 =	srdreg.scid;
	s14 =	smul.u32 $0x28000, s1  }
0x6: {  	s3 =	rddreg [dreg:$0x4];
	s6 =	sand.u32 $0x1, s6;
	s26 =	smul.u32 $0x2800, s1  }
0x7: {  	s0 =	rddreg [dreg:$0x5];
	s4 =	simm.s32 $0x0;
	s12 =	smul.u32 $0x27800, s6  }
0x8: {  	[smem:$0x7FF] =	sst s4;
	s29 =	sshll.u32 s1, $0x6;
	s28 =	smul.u32 $0x1400, s6  }
0x9: {  	s11 =	ssub.s32 $0x2, s6;
	_ =	strace $0x80000047;
	s15 =	smul.u32 $0x14000, s6  }
0xa: {  	s6 =	sor.u32 $0x1C02, s29;
	s13 =	sshrl.u32 s11, $0x1;
	s10 =	sshrl.u32 s10, $0x2  }
0xb: {  	s30 =	sadd.s32 s14, s7;
	s14 =	simm.s32 $0x0;
	s11 =	ssub.s32 s11, s13  }
0xc: {  	s10 =	sadd.s32 s10, s3;
	s8 =	sadd.s32 s8, s12;
	s12 =	sadd.s32 s28, s26  }
0xd: {  	s13 =	simm.s32 $0x1;
	s5 =	sadd.s32 s5, s8;
	s7 =	smax.u32 s11, $0x1  }
0xe: {  	s8 =	sadd.s32 s15, s30;
	s31 =	sshrl.u32 s12, $0x3;
	s10 =	sshrl.u32 s10, $0x3  }
0xf: {  	s11 =	simm.s32 $0x2;
	s12 =	simm.s32 $0x100;
	s9 =	sadd.s32 s31, s9  }
.LBB2_1:
0x10: {  	[spmem:s10], [sflag:s6] =	dma.local [hbm:s2], $0x2780  }
0x11: {  	_ =	swait.ge [sflag:s11], $0x2780  }
0x12: {  	[sflag:s11] =	ssyncset.done $0x0  }
0x13: {  	[sflag:s11] =	ssyncadd.s32 $0xFFFFD880  }
0x14: {  	s15 =	sadd.s32 $0x0, s9;
	[bflag:$0x0] =	sbarrier.arrive $0xFFFF  }
0x15: {  	[tilespmem:s4], [sflag:$0x1] =	stream.linear.gather [hbm4b:s15+s4], $0x100, $0x38;
	[tilespmem:$0x1BD00] =	vst v63  }
0x16: {  	_ = 	snop  }
0x17: {  	[tilespmem:s12], [sflag:$0x1] =	stream.linear.gather [hbm4b:s8+s4], $0x8000, $0x38;
	[tilespmem:$0x1BD00] =	vst v63  }
0x18: {  	_ =	swait.ge [sflag:s13], $0x100  }
0x19: {  	[sflag:s13] =	ssyncset.done $0x0  }
0x1a: {  	[sflag:s13] =	ssyncadd.s32 $0xFFFFFF00  }
0x1b: {  	_ =	swait.ge [sflag:s13], $0x8000  }
0x1c: {  	[sflag:s13] =	ssyncset.done $0x0  }
0x1d: {  	[sflag:s13] =	ssyncadd.s32 $0xFFFF8000  }
0x1e: {  	[spmem:s3] =	stream.indirect.scatter.add.f32 [tilespmem:s12], [sflag:$0x2], $0x80, s4, s12, $0xb8;
	[tilespmem:$0x1BD00] =	vst v63  }
0x1f: {  	s16 =	simm.s32 $0x20;
	_ =	swait.ge [sflag:s11], $0x8000  }
0x20: {  	s17 =	simm.s32 $0x40;
	s15 =	sadd.s32 $0x1000, s8;
	[sflag:s11] =	ssyncset.done $0x0  }
.LBB2_2:
0x21: {  	s18 =	sadd.s32 s16, s9  }
0x22: {  	[sflag:s11] =	ssyncadd.s32 $0xFFFF8000;
	s16 =	smov.u32 s17;
	s19 =	sadd.s32 $0x20, s17  }
0x23: {  	[tilespmem:s4], [sflag:$0x1] =	stream.linear.gather [hbm4b:s18+s4], $0x100, $0x38;
	[tilespmem:$0x1BD00] =	vst v63  }
0x24: {  	p0 =	sne.s32 s17, $0x260  }
0x25: {  	[tilespmem:s12], [sflag:$0x1] =	stream.linear.gather [hbm4b:s15+s4], $0x8000, $0x38;
	[tilespmem:$0x1BD00] =	vst v63  }
0x26: {  	_ =	swait.ge [sflag:s13], $0x100  }
0x27: {  	[sflag:s13] =	ssyncset.done $0x0  }
0x28: {  	[sflag:s13] =	ssyncadd.s32 $0xFFFFFF00  }
0x29: {  	_ =	swait.ge [sflag:s13], $0x8000  }
.Ltmp0:
0x2a: {  	[sflag:s13] =	ssyncset.done $0x0;
	(pc) =	sbr.rel @p0 .LBB2_2-.Ltmp0, $4  }
0x2b: {  	[sflag:s13] =	ssyncadd.s32 $0xFFFF8000  }
0x2c: {  	[spmem:s3] =	stream.indirect.scatter.add.f32 [tilespmem:s12], [sflag:$0x2], $0x80, s4, s12, $0xb8;
	[tilespmem:$0x1BD00] =	vst v63  }
0x2d: {  	_ =	swait.ge [sflag:s11], $0x8000  }
0x2e: {  	s17 =	smov.u32 s19;
	s15 =	sadd.s32 $0x1000, s15;
	[sflag:s11] =	ssyncset.done $0x0  }
0x2f: {  	s16 =	sadd.s32 s16, s9;
	[sflag:s11] =	ssyncadd.s32 $0xFFFF8000  }
0x30: {  	[tilespmem:s4], [sflag:$0x1] =	stream.linear.gather [hbm4b:s16+s4], $0x100, $0x38;
	[tilespmem:$0x1BD00] =	vst v63  }
0x31: {  	_ = 	snop  }
0x32: {  	[tilespmem:s12], [sflag:$0x1] =	stream.linear.gather [hbm4b:s15+s4], $0x8000, $0x38;
	[tilespmem:$0x1BD00] =	vst v63  }
0x33: {  	_ =	swait.ge [sflag:s13], $0x100  }
0x34: {  	[sflag:s13] =	ssyncset.done $0x0  }
0x35: {  	[sflag:s13] =	ssyncadd.s32 $0xFFFFFF00  }
0x36: {  	_ =	swait.ge [sflag:s13], $0x8000  }
0x37: {  	[sflag:s13] =	ssyncset.done $0x0  }
0x38: {  	[sflag:s13] =	ssyncadd.s32 $0xFFFF8000  }
0x39: {  	[spmem:s3] =	stream.indirect.scatter.add.f32 [tilespmem:s12], [sflag:$0x2], $0x80, s4, s12, $0xb8;
	[tilespmem:$0x1BD00] =	vst v63  }
0x3a: {  	_ =	swait.ge [sflag:s11], $0x8000  }
0x3b: {  	s14 =	sadd.s32 $0x1, s14;
	[sflag:s11] =	ssyncset.done $0x0  }
0x3c: {  	p0 =	sne.s32 s14, s7;
	[sflag:s11] =	ssyncadd.s32 $0xFFFF8000  }
.Ltmp1:
0x3d: {  	[bflag:$0x0] =	sbarrier.arrive $0xFFFF;
	(pc) =	sbr.rel @p0 .LBB2_1-.Ltmp1, $4  }
0x3e: {  	[hbm:s5], [sflag:s6] =	dma.local [spmem:s10], $0x2780  }
0x3f: {  	_ =	swait.ge [sflag:s11], $0x2780  }
0x40: {  	[sflag:s11] =	ssyncset.done $0x0  }
0x41: {  	[sflag:s11] =	ssyncadd.s32 $0xFFFFD880  }
0x42: {  	_ =	sfence.sel $0x180000  }
0x43: {  	[bflag:$0x0] =	sbarrier.arrive $0xFFFF  }
0x44: {  	p0 =	sne.s32 s1, $0x0;
	_ =	strace $0x90000047  }
0x45: {  	s0 =	sadd.s32 @!p0 $0x100000, s0;
	[bflag:$0x2] =	sbarrier.arrive $0xFFFF  }
0x46: {  	[sflag:s0] =	ssyncadd.tile.s32 @!p0 $0x1;
	_ =	shalt  }
.Lfunc_end2:
_tile_overlayer_lowered:
.L_overlay_start_2:
0x47: {  	(tag) =	ssettag $0x2  }
0x48: {  	s0 =	rddreg [dreg:$0x0];
	s2 =	stileid.u32  }
0x49: {  	s1 =	rddreg [dreg:$0x1];
	p0 =	sne.s32 s2, $0x0  }
0x4a: {  	s3 =	rddreg [dreg:$0x2];
	[bflag:$0x3] =	sbarrier.arrive $0xFFFF;
	s2 =	simm.s32 @!p0 $0x1C02  }
0x4b: {  	[timem:s3], [sflag:s2] =	dma.local @!p0 [hbm:s0], s1  }
0x4c: {  	s0 =	simm.s32 @!p0 $0x2  }
0x4d: {  	_ =	swait.ge @!p0 [sflag:s0], s1  }
0x4e: {  	s1 =	ssub.s32 @!p0 $0x0, s1;
	[sflag:s0] =	ssyncset.done @!p0 $0x0  }
0x4f: {  	[sflag:s0] =	ssyncadd.s32 @!p0 s1  }
0x50: {  	[bflag:$0x3] =	sbarrier.arrive $0xFFFF  }
0x51: {  	_ =	shalt  }

</sc_bundles>
